<compile_context>
chip_gen: v7x
topology: tpu7x:2x2x1
jax: 0.10.2.dev20260603
libtpu: 0.0.44.dev20260713+nightly
codegen_flags: <defaults>
</compile_context>

<pallas_src>
import functools

import jax
import jax.numpy as jnp
from jax import lax
from jax.experimental import pallas as pl
from jax.experimental.pallas import tpu as pltpu
from jax.experimental.pallas import tpu_sc as plsc

NC = 2
NS = 16
NW = NC * NS
CHUNK = 128


def _matmul(x, W, b):
    n, d = x.shape
    blk = 400
    grid = n // blk

    def body(x_ref, w_ref, b_ref, o_ref):
        o_ref[...] = lax.dot_general(
            x_ref[...], w_ref[...],
            (((1,), (1,)), ((), ())),
            preferred_element_type=jnp.float32,
            precision=lax.Precision.HIGHEST,
        ) + b_ref[...]

    return pl.pallas_call(
        body,
        grid=(grid,),
        in_specs=[
            pl.BlockSpec((blk, d), lambda i: (i, 0)),
            pl.BlockSpec((d, d), lambda i: (0, 0)),
            pl.BlockSpec((1, d), lambda i: (0, 0)),
        ],
        out_specs=pl.BlockSpec((blk, d), lambda i: (i, 0)),
        out_shape=jax.ShapeDtypeStruct((n, d), jnp.float32),
    )(x, W, b.reshape(1, d))


def _sc_aggregate(h, src_w, dst_w, zeros_blk, acc_rows, rpt, k_chunks):
    n, d = h.shape
    mesh = plsc.VectorSubcoreMesh(
        core_axis_name="c", subcore_axis_name="s",
        num_cores=NC, num_subcores=NS)

    @functools.partial(
        pl.kernel,
        out_type=jax.ShapeDtypeStruct((NC, acc_rows, d), jnp.float32),
        mesh=mesh,
        scratch_types=[
            pltpu.VMEM((k_chunks, CHUNK), jnp.int32),
            pltpu.VMEM((k_chunks, CHUNK), jnp.int32),
            pltpu.VMEM((CHUNK, d), jnp.float32),
            pltpu.VMEM_SHARED((acc_rows, d), jnp.float32),
            pltpu.SemaphoreType.DMA,
            [pltpu.SemaphoreType.DMA] * 3,
        ],
    )
    def k(h_hbm, src_hbm, dst_hbm, z_hbm, out_hbm,
          src_v, dst_v, buf, acc, sem, init_sems):
        c = lax.axis_index("c")
        s = lax.axis_index("s")
        w = c * NS + s
        zero_cp = pltpu.async_copy(
            z_hbm, acc.at[pl.ds(s * rpt, rpt)], init_sems[0])
        src_cp = pltpu.async_copy(src_hbm.at[w], src_v, init_sems[1])
        dst_cp = pltpu.async_copy(dst_hbm.at[w], dst_v, init_sems[2])
        zero_cp.wait()
        src_cp.wait()
        dst_cp.wait()
        plsc.subcore_barrier()

        @pl.loop(0, k_chunks)
        def _(j):
            pltpu.async_copy(h_hbm.at[src_v.at[j]], buf, sem).wait()
            pltpu.sync_copy(buf, acc.at[dst_v.at[j]], add=True)

        plsc.subcore_barrier()
        pltpu.sync_copy(acc.at[pl.ds(s * rpt, rpt)],
                        out_hbm.at[c, pl.ds(s * rpt, rpt)])

    return k(h, src_w, dst_w, zeros_blk)


def _combine(partials, h):
    n, d = h.shape
    blk = 400
    grid = n // blk

    def body(p_ref, h_ref, o_ref):
        o_ref[...] = jnp.maximum(p_ref[0] + p_ref[1] + h_ref[...], 0.0)

    return pl.pallas_call(
        body,
        grid=(grid,),
        in_specs=[
            pl.BlockSpec((NC, blk, d), lambda i: (0, i, 0)),
            pl.BlockSpec((blk, d), lambda i: (i, 0)),
        ],
        out_specs=pl.BlockSpec((blk, d), lambda i: (i, 0)),
        out_shape=jax.ShapeDtypeStruct((n, d), jnp.float32),
    )(partials, h)


def kernel(node_feats, edge_index, W, b):
    n, d = node_feats.shape
    e = edge_index.shape[1]

    rpt = (-(-(n + 1) // NS) + 63) // 64 * 64
    acc_rows = NS * rpt

    k_chunks = -(-e // (NW * CHUNK))
    e_pad = NW * k_chunks * CHUNK
    src = jnp.concatenate(
        [edge_index[0], jnp.zeros((e_pad - e,), jnp.int32)]).reshape(
            NW, k_chunks, CHUNK)
    dst = jnp.concatenate(
        [edge_index[1], jnp.full((e_pad - e,), n, jnp.int32)]).reshape(
            NW, k_chunks, CHUNK)
    zeros_blk = jnp.zeros((rpt, d), jnp.float32)

    h = _matmul(node_feats, W, b)
    partials = _sc_aggregate(h, src, dst, zeros_blk, acc_rows, rpt, k_chunks)
    return _combine(partials, h)

# --- scband reference (transcript-rebuilt; emitter-appended) ---
"""Pipeline reference for scband-gcn-layer-50027779064032 (READ-ONLY COPY).

The authoritative reference and input builder live on the scoring server;
editing this copy changes nothing except your own understanding.
"""

import jax, jax.numpy as jnp
import numpy as np

N = 10000
E = 320000
D = 128

def setup_inputs(seed: int = 0) -> dict:
    key = jax.random.key(seed)
    k1, k2, k3 = jax.random.split(key, 3)
    x = jax.random.normal(k1, (N, D), dtype=jnp.float32)
    edge_index = jax.random.randint(k2, (2, E), 0, N, dtype=jnp.int32)
    W = jax.random.normal(k3, (D, D), dtype=jnp.float32) * 0.02
    b = jnp.zeros((D,), dtype=jnp.float32)
    return {"node_feats": x, "edge_index": edge_index, "W": W, "b": b}

def reference(node_feats, edge_index, W, b):
    # GCN_layer.forward: add self loops, h = Linear(x), copy_u -> sum aggregation,
    # activation (relu), dropout (p=0.0 -> identity). No batch_norm, no residual.
    n = node_feats.shape[0]
    src = edge_index[0]
    dst = edge_index[1]
    loop = jnp.arange(n, dtype=src.dtype)
    src_all = jnp.concatenate([src, loop], axis=0)
    dst_all = jnp.concatenate([dst, loop], axis=0)
    h = node_feats @ W.T + b
    msgs = jnp.take(h, src_all, axis=0)
    agg = jnp.zeros_like(h).at[dst_all].add(msgs)
    out = jax.nn.relu(agg)
    return out

if __name__ == "__main__":
    import jax
    _d = setup_inputs()
    print(jax.jit(kernel)(*tuple(_d.values())))

</pallas_src>

<mosaic_0001>
#map = affine_map<(d0, d1) -> (0, 0)>
#map1 = affine_map<(d0, d1) -> (0, 0, 0)>
module attributes {stable_mosaic.version = 14 : i64} {
  func.func @k(%arg0: i32, %arg1: i32, %arg2: memref<10000x128xf32, #tpu.memory_space<hbm>>, %arg3: memref<32x79x128xi32, #tpu.memory_space<hbm>>, %arg4: memref<32x79x128xi32, #tpu.memory_space<hbm>>, %arg5: memref<640x128xf32, #tpu.memory_space<hbm>>, %arg6: memref<2x10240x128xf32, #tpu.memory_space<hbm>>, %arg7: memref<79x128xi32, #tpu.memory_space<vmem>>, %arg8: memref<79x128xi32, #tpu.memory_space<vmem>>, %arg9: memref<128x128xf32, #tpu.memory_space<vmem>>, %arg10: memref<10240x128xf32, #tpu.memory_space<vmem_shared>>, %arg11: memref<!tpu.dma_semaphore, #tpu.memory_space<semaphore_mem>>, %arg12: memref<!tpu.dma_semaphore, #tpu.memory_space<semaphore_mem>>, %arg13: memref<!tpu.dma_semaphore, #tpu.memory_space<semaphore_mem>>, %arg14: memref<!tpu.dma_semaphore, #tpu.memory_space<semaphore_mem>>) attributes {dimension_semantics = [#tpu.dimension_semantics<core_parallel>, #tpu.dimension_semantics<subcore_parallel>], iteration_bounds = array<i64: 2, 16>, scalar_prefetch = 0 : i64, scratch_operands = 8 : i64, tpu.core_type = #tpu.core_type<sc_vector_subcore>, window_params = [{transform_indices = #map}, {transform_indices = #map1}, {transform_indices = #map1}, {transform_indices = #map}, {transform_indices = #map1}]} {
    %mul3A = arith.constant 16 : i32
    %mul3A_0 = arith.muli %arg0, %mul3A : i32
    %add3A = arith.addi %mul3A_0, %arg1 : i32
    %mul3A_1 = arith.constant 640 : i32
    %mul3A_2 = arith.muli %arg1, %mul3A_1 : i32
    %dma_start3A = arith.constant 0 : i32
    %dma_start3A_3 = tpu.memref_slice %arg10[%mul3A_2, %dma_start3A] : memref<10240x128xf32, #tpu.memory_space<vmem_shared>> -> memref<640x128xf32, #tpu.memory_space<vmem_shared>>
    tpu.enqueue_dma source(%arg5 : memref<640x128xf32, #tpu.memory_space<hbm>>) target(%dma_start3A_3 : memref<640x128xf32, #tpu.memory_space<vmem_shared>>) target_semaphore(%arg12 : memref<!tpu.dma_semaphore, #tpu.memory_space<semaphore_mem>>)
    %dma_start3A_4 = arith.constant 0 : i32
    %dma_start3A_5 = arith.constant 0 : i32
    %dma_start3A_6 = tpu.memref_slice %arg3[%add3A, %dma_start3A_4, %dma_start3A_5] : memref<32x79x128xi32, #tpu.memory_space<hbm>> -> memref<1x79x128xi32, #tpu.memory_space<hbm>>
    %dma_start3A_7 = tpu.memref_squeeze %dma_start3A_6 : memref<1x79x128xi32, #tpu.memory_space<hbm>> -> memref<79x128xi32, #tpu.memory_space<hbm>>
    %dma_start3A_8 = arith.constant 0 : i32
    %dma_start3A_9 = arith.constant 0 : i32
    %dma_start3A_10 = tpu.memref_slice %arg3[%add3A, %dma_start3A_8, %dma_start3A_9] : memref<32x79x128xi32, #tpu.memory_space<hbm>> -> memref<1x79x128xi32, #tpu.memory_space<hbm>>
    %dma_start3A_11 = tpu.memref_squeeze %dma_start3A_10 : memref<1x79x128xi32, #tpu.memory_space<hbm>> -> memref<79x128xi32, #tpu.memory_space<hbm>>
    tpu.enqueue_dma source(%dma_start3A_11 : memref<79x128xi32, #tpu.memory_space<hbm>>) target(%arg7 : memref<79x128xi32, #tpu.memory_space<vmem>>) target_semaphore(%arg13 : memref<!tpu.dma_semaphore, #tpu.memory_space<semaphore_mem>>)
    %dma_start3A_12 = arith.constant 0 : i32
    %dma_start3A_13 = arith.constant 0 : i32
    %dma_start3A_14 = tpu.memref_slice %arg4[%add3A, %dma_start3A_12, %dma_start3A_13] : memref<32x79x128xi32, #tpu.memory_space<hbm>> -> memref<1x79x128xi32, #tpu.memory_space<hbm>>
    %dma_start3A_15 = tpu.memref_squeeze %dma_start3A_14 : memref<1x79x128xi32, #tpu.memory_space<hbm>> -> memref<79x128xi32, #tpu.memory_space<hbm>>
    %dma_start3A_16 = arith.constant 0 : i32
    %dma_start3A_17 = arith.constant 0 : i32
    %dma_start3A_18 = tpu.memref_slice %arg4[%add3A, %dma_start3A_16, %dma_start3A_17] : memref<32x79x128xi32, #tpu.memory_space<hbm>> -> memref<1x79x128xi32, #tpu.memory_space<hbm>>
    %dma_start3A_19 = tpu.memref_squeeze %dma_start3A_18 : memref<1x79x128xi32, #tpu.memory_space<hbm>> -> memref<79x128xi32, #tpu.memory_space<hbm>>
    tpu.enqueue_dma source(%dma_start3A_19 : memref<79x128xi32, #tpu.memory_space<hbm>>) target(%arg8 : memref<79x128xi32, #tpu.memory_space<vmem>>) target_semaphore(%arg14 : memref<!tpu.dma_semaphore, #tpu.memory_space<semaphore_mem>>)
    %dma_wait3A = arith.constant 0 : i32
    %dma_wait3A_20 = tpu.memref_slice %arg10[%mul3A_2, %dma_wait3A] : memref<10240x128xf32, #tpu.memory_space<vmem_shared>> -> memref<640x128xf32, #tpu.memory_space<vmem_shared>>
    tpu.wait_dma2 semaphore(%arg12 : memref<!tpu.dma_semaphore, #tpu.memory_space<semaphore_mem>>) src(%arg5 : memref<640x128xf32, #tpu.memory_space<hbm>>) dst(%dma_wait3A_20 : memref<640x128xf32, #tpu.memory_space<vmem_shared>>)
    %dma_wait3A_21 = arith.constant 0 : i32
    %dma_wait3A_22 = arith.constant 0 : i32
    %dma_wait3A_23 = tpu.memref_slice %arg3[%add3A, %dma_wait3A_21, %dma_wait3A_22] : memref<32x79x128xi32, #tpu.memory_space<hbm>> -> memref<1x79x128xi32, #tpu.memory_space<hbm>>
    %dma_wait3A_24 = tpu.memref_squeeze %dma_wait3A_23 : memref<1x79x128xi32, #tpu.memory_space<hbm>> -> memref<79x128xi32, #tpu.memory_space<hbm>>
    %dma_wait3A_25 = arith.constant 0 : i32
    %dma_wait3A_26 = arith.constant 0 : i32
    %dma_wait3A_27 = tpu.memref_slice %arg3[%add3A, %dma_wait3A_25, %dma_wait3A_26] : memref<32x79x128xi32, #tpu.memory_space<hbm>> -> memref<1x79x128xi32, #tpu.memory_space<hbm>>
    %dma_wait3A_28 = tpu.memref_squeeze %dma_wait3A_27 : memref<1x79x128xi32, #tpu.memory_space<hbm>> -> memref<79x128xi32, #tpu.memory_space<hbm>>
    tpu.wait_dma2 semaphore(%arg13 : memref<!tpu.dma_semaphore, #tpu.memory_space<semaphore_mem>>) src(%dma_wait3A_28 : memref<79x128xi32, #tpu.memory_space<hbm>>) dst(%arg7 : memref<79x128xi32, #tpu.memory_space<vmem>>)
    %dma_wait3A_29 = arith.constant 0 : i32
    %dma_wait3A_30 = arith.constant 0 : i32
    %dma_wait3A_31 = tpu.memref_slice %arg4[%add3A, %dma_wait3A_29, %dma_wait3A_30] : memref<32x79x128xi32, #tpu.memory_space<hbm>> -> memref<1x79x128xi32, #tpu.memory_space<hbm>>
    %dma_wait3A_32 = tpu.memref_squeeze %dma_wait3A_31 : memref<1x79x128xi32, #tpu.memory_space<hbm>> -> memref<79x128xi32, #tpu.memory_space<hbm>>
    %dma_wait3A_33 = arith.constant 0 : i32
    %dma_wait3A_34 = arith.constant 0 : i32
    %dma_wait3A_35 = tpu.memref_slice %arg4[%add3A, %dma_wait3A_33, %dma_wait3A_34] : memref<32x79x128xi32, #tpu.memory_space<hbm>> -> memref<1x79x128xi32, #tpu.memory_space<hbm>>
    %dma_wait3A_36 = tpu.memref_squeeze %dma_wait3A_35 : memref<1x79x128xi32, #tpu.memory_space<hbm>> -> memref<79x128xi32, #tpu.memory_space<hbm>>
    tpu.wait_dma2 semaphore(%arg14 : memref<!tpu.dma_semaphore, #tpu.memory_space<semaphore_mem>>) src(%dma_wait3A_36 : memref<79x128xi32, #tpu.memory_space<hbm>>) dst(%arg8 : memref<79x128xi32, #tpu.memory_space<vmem>>)
    %barrier3A = arith.constant 0 : index
    tpu.barrier barrier_id(%barrier3A)
    %scan3A = arith.constant 0 : i32
    %scan3A_37 = arith.constant 79 : i32
    %scan3A_38 = arith.addi %scan3A, %scan3A_37 : i32
    %scan3A_39 = arith.constant 1 : i32
    scf.for %scan3A_46 = %scan3A to %scan3A_38 step %scan3A_39  : i32 {
      %mul3A_47 = arith.constant 1 : i32
      %mul3A_48 = arith.muli %scan3A_46, %mul3A_47 : i32
      %add3A_49 = arith.constant 0 : i32
      %add3A_50 = arith.addi %add3A_49, %mul3A_48 : i32
      %dma_start3A_51 = arith.constant 0 : i32
      %dma_start3A_52 = tpu.memref_slice %arg7[%add3A_50, %dma_start3A_51] : memref<79x128xi32, #tpu.memory_space<vmem>> -> memref<1x128xi32, #tpu.memory_space<vmem>>
      %dma_start3A_53 = tpu.memref_squeeze %dma_start3A_52 : memref<1x128xi32, #tpu.memory_space<vmem>> -> memref<128xi32, #tpu.memory_space<vmem>>
      %dma_start3A_54 = arith.constant 0 : i32
      %dma_start3A_55 = arith.constant 0 : i32
      %dma_start3A_56 = tpu.memref_slice %arg2[%dma_start3A_54, %dma_start3A_55] : memref<10000x128xf32, #tpu.memory_space<hbm>> -> memref<10000x128xf32, #tpu.memory_space<hbm>>
      tpu.enqueue_indirect_dma source(%dma_start3A_56 : memref<10000x128xf32, #tpu.memory_space<hbm>>) target(%arg9 : memref<128x128xf32, #tpu.memory_space<vmem>>) offsets(%dma_start3A_53 : memref<128xi32, #tpu.memory_space<vmem>>) semaphore(%arg11 : memref<!tpu.dma_semaphore, #tpu.memory_space<semaphore_mem>>)
      %dma_wait3A_57 = arith.constant 0 : i32
      %dma_wait3A_58 = tpu.memref_slice %arg7[%add3A_50, %dma_wait3A_57] : memref<79x128xi32, #tpu.memory_space<vmem>> -> memref<1x128xi32, #tpu.memory_space<vmem>>
      %dma_wait3A_59 = tpu.memref_squeeze %dma_wait3A_58 : memref<1x128xi32, #tpu.memory_space<vmem>> -> memref<128xi32, #tpu.memory_space<vmem>>
      %dma_wait3A_60 = arith.constant 0 : i32
      %dma_wait3A_61 = arith.constant 0 : i32
      %dma_wait3A_62 = tpu.memref_slice %arg2[%dma_wait3A_60, %dma_wait3A_61] : memref<10000x128xf32, #tpu.memory_space<hbm>> -> memref<10000x128xf32, #tpu.memory_space<hbm>>
      tpu.wait_indirect_dma semaphore(%arg11 : memref<!tpu.dma_semaphore, #tpu.memory_space<semaphore_mem>>) src(%dma_wait3A_62 : memref<10000x128xf32, #tpu.memory_space<hbm>>) dst(%arg9 : memref<128x128xf32, #tpu.memory_space<vmem>>)
      "tpu.region"() ({
        %run_scoped3A = tpu.sem_alloc : memref<!tpu.dma_semaphore, #tpu.memory_space<semaphore_mem>>
        %dma_start3A_63 = arith.constant 0 : i32
        %dma_start3A_64 = tpu.memref_slice %arg8[%add3A_50, %dma_start3A_63] : memref<79x128xi32, #tpu.memory_space<vmem>> -> memref<1x128xi32, #tpu.memory_space<vmem>>
        %dma_start3A_65 = tpu.memref_squeeze %dma_start3A_64 : memref<1x128xi32, #tpu.memory_space<vmem>> -> memref<128xi32, #tpu.memory_space<vmem>>
        %dma_start3A_66 = arith.constant 0 : i32
        %dma_start3A_67 = arith.constant 0 : i32
        %dma_start3A_68 = tpu.memref_slice %arg10[%dma_start3A_66, %dma_start3A_67] : memref<10240x128xf32, #tpu.memory_space<vmem_shared>> -> memref<10240x128xf32, #tpu.memory_space<vmem_shared>>
        tpu.enqueue_indirect_dma source(%arg9 : memref<128x128xf32, #tpu.memory_space<vmem>>) target(%dma_start3A_68 : memref<10240x128xf32, #tpu.memory_space<vmem_shared>>) offsets(%dma_start3A_65 : memref<128xi32, #tpu.memory_space<vmem>>) semaphore(%run_scoped3A : memref<!tpu.dma_semaphore, #tpu.memory_space<semaphore_mem>>) {add = true}
        %dma_wait3A_69 = arith.constant 0 : i32
        %dma_wait3A_70 = tpu.memref_slice %arg8[%add3A_50, %dma_wait3A_69] : memref<79x128xi32, #tpu.memory_space<vmem>> -> memref<1x128xi32, #tpu.memory_space<vmem>>
        %dma_wait3A_71 = tpu.memref_squeeze %dma_wait3A_70 : memref<1x128xi32, #tpu.memory_space<vmem>> -> memref<128xi32, #tpu.memory_space<vmem>>
        %dma_wait3A_72 = arith.constant 0 : i32
        %dma_wait3A_73 = arith.constant 0 : i32
        %dma_wait3A_74 = tpu.memref_slice %arg10[%dma_wait3A_72, %dma_wait3A_73] : memref<10240x128xf32, #tpu.memory_space<vmem_shared>> -> memref<10240x128xf32, #tpu.memory_space<vmem_shared>>
        tpu.wait_indirect_dma semaphore(%run_scoped3A : memref<!tpu.dma_semaphore, #tpu.memory_space<semaphore_mem>>) src(%arg9 : memref<128x128xf32, #tpu.memory_space<vmem>>) dst(%dma_wait3A_74 : memref<10240x128xf32, #tpu.memory_space<vmem_shared>>)
        tpu.yield
      }) : () -> ()
    }
    %scan3A_40 = arith.constant 79 : i32
    %barrier3A_41 = arith.constant 0 : index
    tpu.barrier barrier_id(%barrier3A_41)
    %mul3A_42 = arith.constant 640 : i32
    %mul3A_43 = arith.muli %arg1, %mul3A_42 : i32
    %mul3A_44 = arith.constant 640 : i32
    %mul3A_45 = arith.muli %arg1, %mul3A_44 : i32
    "tpu.region"() ({
      %run_scoped3A = tpu.sem_alloc : memref<!tpu.dma_semaphore, #tpu.memory_space<semaphore_mem>>
      %dma_start3A_46 = arith.constant 0 : i32
      %dma_start3A_47 = tpu.memref_slice %arg6[%arg0, %mul3A_45, %dma_start3A_46] : memref<2x10240x128xf32, #tpu.memory_space<hbm>> -> memref<1x640x128xf32, #tpu.memory_space<hbm>>
      %dma_start3A_48 = tpu.memref_squeeze %dma_start3A_47 : memref<1x640x128xf32, #tpu.memory_space<hbm>> -> memref<640x128xf32, #tpu.memory_space<hbm>>
      %dma_start3A_49 = arith.constant 0 : i32
      %dma_start3A_50 = tpu.memref_slice %arg10[%mul3A_43, %dma_start3A_49] : memref<10240x128xf32, #tpu.memory_space<vmem_shared>> -> memref<640x128xf32, #tpu.memory_space<vmem_shared>>
      tpu.enqueue_dma source(%dma_start3A_50 : memref<640x128xf32, #tpu.memory_space<vmem_shared>>) target(%dma_start3A_48 : memref<640x128xf32, #tpu.memory_space<hbm>>) target_semaphore(%run_scoped3A : memref<!tpu.dma_semaphore, #tpu.memory_space<semaphore_mem>>)
      %dma_wait3A_51 = arith.constant 0 : i32
      %dma_wait3A_52 = tpu.memref_slice %arg6[%arg0, %mul3A_45, %dma_wait3A_51] : memref<2x10240x128xf32, #tpu.memory_space<hbm>> -> memref<1x640x128xf32, #tpu.memory_space<hbm>>
      %dma_wait3A_53 = tpu.memref_squeeze %dma_wait3A_52 : memref<1x640x128xf32, #tpu.memory_space<hbm>> -> memref<640x128xf32, #tpu.memory_space<hbm>>
      %dma_wait3A_54 = arith.constant 0 : i32
      %dma_wait3A_55 = tpu.memref_slice %arg10[%mul3A_43, %dma_wait3A_54] : memref<10240x128xf32, #tpu.memory_space<vmem_shared>> -> memref<640x128xf32, #tpu.memory_space<vmem_shared>>
      tpu.wait_dma2 semaphore(%run_scoped3A : memref<!tpu.dma_semaphore, #tpu.memory_space<semaphore_mem>>) src(%dma_wait3A_55 : memref<640x128xf32, #tpu.memory_space<vmem_shared>>) dst(%dma_wait3A_53 : memref<640x128xf32, #tpu.memory_space<hbm>>)
      tpu.yield
    }) : () -> ()
    return
  }
}

module attributes {stable_mosaic.version = 14 : i64} {
  func.func @body(%arg0: i32, %arg1: memref<400x128xf32, #tpu.memory_space<vmem>>, %arg2: memref<128x128xf32, #tpu.memory_space<vmem>>, %arg3: memref<1x128xf32, #tpu.memory_space<vmem>>, %arg4: memref<400x128xf32, #tpu.memory_space<vmem>>) attributes {dimension_semantics = [#tpu.dimension_semantics<arbitrary>], iteration_bounds = array<i64: 25>, scalar_prefetch = 0 : i64, scratch_operands = 0 : i64, tpu.core_type = #tpu.core_type<tc>, window_params = [{transform_indices = @transform_0, window_bounds = array<i64: 400, 128>}, {pipeline_mode = #tpu.pipeline_mode<synchronous>, transform_indices = @transform_1, window_bounds = array<i64: 128, 128>}, {pipeline_mode = #tpu.pipeline_mode<synchronous>, transform_indices = @transform_2, window_bounds = array<i64: 1, 128>}, {transform_indices = @transform_3, window_bounds = array<i64: 400, 128>}]} {
    %get3A = arith.constant 0 : index
    %get3A_0 = arith.constant 0 : index
    %get3A_1 = vector.load %arg1[%get3A, %get3A_0] : memref<400x128xf32, #tpu.memory_space<vmem>>, vector<400x128xf32>
    %get3A_2 = arith.constant 0 : index
    %get3A_3 = arith.constant 0 : index
    %get3A_4 = vector.load %arg2[%get3A_2, %get3A_3] : memref<128x128xf32, #tpu.memory_space<vmem>>, vector<128x128xf32>
    %dot_general3A = arith.constant dense<0.000000e+00> : vector<400x128xf32>
    %dot_general3A_5 = tpu.matmul %get3A_1, %get3A_4, %dot_general3A {dimension_numbers = #tpu.dot_dimension_numbers<[1], [1], [0], [0], [0, 0, 1, 0], [], []>, precision = #tpu.contract_precision<fp32>, transpose_lhs_hint = false} : vector<400x128xf32>, vector<128x128xf32>, vector<400x128xf32> -> vector<400x128xf32>
    %get3A_6 = arith.constant 0 : index
    %get3A_7 = arith.constant 0 : index
    %get3A_8 = vector.load %arg3[%get3A_6, %get3A_7] : memref<1x128xf32, #tpu.memory_space<vmem>>, vector<1x128xf32>
    %add3A = vector.broadcast %get3A_8 : vector<1x128xf32> to vector<400x128xf32>
    %add3A_9 = arith.addf %dot_general3A_5, %add3A : vector<400x128xf32>
    %swap3A = arith.constant 0 : index
    %swap3A_10 = arith.constant 0 : index
    %swap3A_11 = vector.load %arg4[%swap3A, %swap3A_10] : memref<400x128xf32, #tpu.memory_space<vmem>>, vector<400x128xf32>
    tpu.vector_store %arg4[%swap3A, %swap3A_10], %add3A_9 {strides = array<i32>} : memref<400x128xf32, #tpu.memory_space<vmem>>, vector<400x128xf32>,
    return
  }
  func.func @transform_0(%arg0: i32) -> (i32, i32) {
    %c0_i32 = arith.constant 0 : i32
    %c0_i32_0 = arith.constant 0 : i32
    return %arg0, %c0_i32 : i32, i32
  }
  func.func @transform_1(%arg0: i32) -> (i32, i32) {
    %c0_i32 = arith.constant 0 : i32
    %c0_i32_0 = arith.constant 0 : i32
    %c0_i32_1 = arith.constant 0 : i32
    return %c0_i32, %c0_i32_0 : i32, i32
  }
  func.func @transform_2(%arg0: i32) -> (i32, i32) {
    %c0_i32 = arith.constant 0 : i32
    %c0_i32_0 = arith.constant 0 : i32
    %c0_i32_1 = arith.constant 0 : i32
    return %c0_i32, %c0_i32_0 : i32, i32
  }
  func.func @transform_3(%arg0: i32) -> (i32, i32) {
    %c0_i32 = arith.constant 0 : i32
    %c0_i32_0 = arith.constant 0 : i32
    return %arg0, %c0_i32 : i32, i32
  }
}

module attributes {stable_mosaic.version = 14 : i64} {
  func.func @body(%arg0: i32, %arg1: memref<2x400x128xf32, #tpu.memory_space<vmem>>, %arg2: memref<400x128xf32, #tpu.memory_space<vmem>>, %arg3: memref<400x128xf32, #tpu.memory_space<vmem>>) attributes {dimension_semantics = [#tpu.dimension_semantics<arbitrary>], iteration_bounds = array<i64: 25>, scalar_prefetch = 0 : i64, scratch_operands = 0 : i64, tpu.core_type = #tpu.core_type<tc>, window_params = [{transform_indices = @transform_0, window_bounds = array<i64: 2, 400, 128>}, {transform_indices = @transform_1, window_bounds = array<i64: 400, 128>}, {transform_indices = @transform_2, window_bounds = array<i64: 400, 128>}]} {
    %get3A = arith.constant 0 : index
    %get3A_0 = arith.constant 0 : index
    %get3A_1 = arith.constant 0 : index
    %get3A_2 = vector.load %arg1[%get3A, %get3A_0, %get3A_1] : memref<2x400x128xf32, #tpu.memory_space<vmem>>, vector<1x400x128xf32>
    %get3A_3 = vector.shape_cast %get3A_2 : vector<1x400x128xf32> to vector<400x128xf32>
    %get3A_4 = arith.constant 1 : index
    %get3A_5 = arith.constant 0 : index
    %get3A_6 = arith.constant 0 : index
    %get3A_7 = vector.load %arg1[%get3A_4, %get3A_5, %get3A_6] : memref<2x400x128xf32, #tpu.memory_space<vmem>>, vector<1x400x128xf32>
    %get3A_8 = vector.shape_cast %get3A_7 : vector<1x400x128xf32> to vector<400x128xf32>
    %add3A = arith.addf %get3A_3, %get3A_8 : vector<400x128xf32>
    %get3A_9 = arith.constant 0 : index
    %get3A_10 = arith.constant 0 : index
    %get3A_11 = vector.load %arg2[%get3A_9, %get3A_10] : memref<400x128xf32, #tpu.memory_space<vmem>>, vector<400x128xf32>
    %add3A_12 = arith.addf %add3A, %get3A_11 : vector<400x128xf32>
    %max3A = arith.constant 0.000000e+00 : f32
    %max3A_13 = vector.broadcast %max3A : f32 to vector<400x128xf32>
    %max3A_14 = arith.maximumf %add3A_12, %max3A_13 : vector<400x128xf32>
    %swap3A = arith.constant 0 : index
    %swap3A_15 = arith.constant 0 : index
    %swap3A_16 = vector.load %arg3[%swap3A, %swap3A_15] : memref<400x128xf32, #tpu.memory_space<vmem>>, vector<400x128xf32>
    tpu.vector_store %arg3[%swap3A, %swap3A_15], %max3A_14 {strides = array<i32>} : memref<400x128xf32, #tpu.memory_space<vmem>>, vector<400x128xf32>,
    return
  }
  func.func @transform_0(%arg0: i32) -> (i32, i32, i32) {
    %c0_i32 = arith.constant 0 : i32
    %c0_i32_0 = arith.constant 0 : i32
    %c0_i32_1 = arith.constant 0 : i32
    return %c0_i32, %arg0, %c0_i32_0 : i32, i32, i32
  }
  func.func @transform_1(%arg0: i32) -> (i32, i32) {
    %c0_i32 = arith.constant 0 : i32
    %c0_i32_0 = arith.constant 0 : i32
    return %arg0, %c0_i32 : i32, i32
  }
  func.func @transform_2(%arg0: i32) -> (i32, i32) {
    %c0_i32 = arith.constant 0 : i32
    %c0_i32_0 = arith.constant 0 : i32
    return %arg0, %c0_i32 : i32, i32
  }
}

</mosaic_0001>

<sc_bundles>
// kernel: kernel.5.cloned.1.call-start
scs
__scs_entry_jumppad:
0x0: {  	(pc) =	sbr.rel $0x88, $3  }
0x1: {  	(tag) =	ssettag $0x0;
	lr =	simm.s32 $0x1  }
0x2: {  	[smem:$0x3F9D] =	sst lr;
	_ =	strace $0xD0000000  }
0x3: {  	_ = 	snop  }
0x4: {  	_ = 	snop  }
0x5: {  	_ = 	snop  }
0x6: {  	_ = 	snop  }
0x7: {  	_ = 	snop  }
__scs_overlays_trampoline_lowered:
0x8: {  	[smem:$0x3FAC] =	sst s0  }
0x9: {  	[smem:$0x3FAD] =	sst s1  }
0xa: {  	[smem:$0x3FAE] =	sst s2  }
0xb: {  	[smem:$0x3FAF] =	sst s3  }
0xc: {  	[smem:$0x3FB0] =	sst s4  }
0xd: {  	[smem:$0x3FB1] =	sst s5  }
0xe: {  	[smem:$0x3FB2] =	sst s6  }
0xf: {  	[smem:$0x3FB3] =	sst s7  }
0x10: {  	[smem:$0x3FB4] =	sst s8  }
0x11: {  	[smem:$0x3FB5] =	sst s9;
	s0 =	simm.s32 @!p0 $0x0  }
0x12: {  	s1 =	sld [smem:$0x3F9B];
	s0 =	simm.s32 @p0 $0x1  }
0x13: {  	[smem:$0x3FB6] =	sst s0;
	s0 =	simm.s32 @!p1 $0x0  }
0x14: {  	s2 =	sld [smem:$0x3F9A];
	s0 =	simm.s32 @p1 $0x1  }
0x15: {  	[smem:$0x3FB7] =	sst s0;
	s0 =	simm.s32 @!p2 $0x0  }
0x16: {  	s3 =	sld [smem:$0x3FDB];
	s0 =	simm.s32 @p2 $0x1  }
0x17: {  	s4 =	simm.s32 $0x1BF5;
	[smem:$0x3FB9] =	sst s0  }
0x18: {  	s0 =	sld [smem:$0x3F9C];
	_ =	swait.ge [sflag:s4], $0x0  }
0x19: {  	s7 =	sld [smem:$0x3F9D]  }
0x1a: {  	s8 =	sadd.s32 $0xFFFFE003, lr  }
0x1b: {  	s9 =	sadd.s32 $0xFFFFFEF7, lr;
	s5 =	simm.s32 $0xFFFFFFFF;
	p2 =	slt.u32 s8, $0xFFFFF086  }
0x1c: {  	p1 =	slt.u32 s9, $0xF7A;
	s5 =	simm.s32 @!p2 $0x0  }
0x1d: {  	s5 =	simm.s32 @p1 $0x1;
	p0 =	seq.s32 s7, s2  }
0x1e: {  	s7 =	smul.u32 @!p0 $0xF7A, s2;
	p2 =	seq.s32 @!p0 s5, $0x0  }
0x1f: {  	s9 =	smul.u32 $0xF7A, s1;
	s8 =	simm.s32 @!p0 $0x1BF5;
	p2 =	por !p2, p0  }
0x20: {  	[sflag:s8] =	ssyncset.s32 @!p0 $0xFFFFF086;
	s6 =	sadd.s32 @!p0 s3, s7;
	s7 =	simm.s32 @!p0 $0x108  }
0x21: {  	s3 =	sadd.s32 s3, s9;
	s6 =	sadd.s32 @!p0 $0x88, s6;
	s7 =	simm.s32 @p2 $0x1082  }
0x22: {  	[simem:s7], [sflag:s8] =	dma.local @!p0 [hbm:s6], $0xF7A  }
0x23: {  	s9 =	sor.u32 $0xD0000000, s2;
	s6 =	simm.s32 $0x108;
	_ =	swait.ge @!p0 [sflag:s8], $0x0  }
0x24: {  	s3 =	sadd.s32 $0x88, s3;
	s6 =	simm.s32 @!p1 $0x1082;
	[sflag:s4] =	ssyncset.s32 $0xFFFFF086  }
0x25: {  	[simem:s6], [sflag:s4] =	dma.local [hbm:s3], $0xF7A  }
0x26: {  	[smem:$0x3F9D] =	sst s1;
	(tag) =	ssettag s2;
	_ =	strace s9  }
0x27: {  	s1 =	sld [smem:$0x3FAD]  }
0x28: {  	s2 =	sld [smem:$0x3FAE]  }
0x29: {  	s4 =	sld [smem:$0x3FB0]  }
0x2a: {  	p0 =	seq.s32 s5, $0x0;
	s5 =	sld [smem:$0x3FB1]  }
0x2b: {  	s6 =	sld [smem:$0x3FB2]  }
0x2c: {  	s7 =	sld [smem:$0x3FB3]  }
0x2d: {  	s3 =	simm.s32 $0x108;
	s8 =	sld [smem:$0x3FB4]  }
0x2e: {  	s3 =	simm.s32 @!p0 $0x1082;
	s9 =	sld [smem:$0x3FB5]  }
0x2f: {  	lr =	sadd.s32 s0, s3;
	s0 =	sld [smem:$0x3FAC]  }
0x30: {  	s3 =	sld [smem:$0x3FAF]  }
0x31: {  	[smem:$0x3FB8] =	sst s10  }
0x32: {  	s10 =	sld [smem:$0x3FB6];
	_ =	sdelay $0x3  }
0x33: {  	p0 =	seq.s32 s10, $0x1;
	s10 =	sld [smem:$0x3FB8];
	_ =	sdelay $0x3  }
0x34: {  	[smem:$0x3FB8] =	sst s10  }
0x35: {  	s10 =	sld [smem:$0x3FB7];
	_ =	sdelay $0x3  }
0x36: {  	p1 =	seq.s32 s10, $0x1;
	s10 =	sld [smem:$0x3FB8];
	_ =	sdelay $0x3  }
0x37: {  	[smem:$0x3FB8] =	sst s10  }
0x38: {  	s10 =	sld [smem:$0x3FB9]  }
0x39: {  	_ = 	snop;
	(pc) =	sbr.ind lr, $3  }
0x3a: {  	_ = 	snop  }
0x3b: {  	_ = 	snop  }
0x3c: {  	p2 =	seq.s32 s10, $0x1;
	s10 =	sld [smem:$0x3FB8]  }
0x3d: {  	_ =	shalt  }
0x3e: {  	_ =	shalt  }
0x3f: {  	_ =	shalt  }
0x40: {  	_ =	shalt  }
0x41: {  	_ =	shalt  }
0x42: {  	_ =	shalt  }
0x43: {  	_ =	shalt  }
0x44: {  	_ =	shalt  }
0x45: {  	_ =	shalt  }
0x46: {  	_ =	shalt  }
0x47: {  	_ =	shalt  }
0x48: {  	_ =	shalt  }
0x49: {  	_ =	shalt  }
0x4a: {  	_ =	shalt  }
0x4b: {  	_ =	shalt  }
0x4c: {  	_ =	shalt  }
0x4d: {  	_ =	shalt  }
0x4e: {  	_ =	shalt  }
0x4f: {  	_ =	shalt  }
0x50: {  	_ =	shalt  }
0x51: {  	_ =	shalt  }
0x52: {  	_ =	shalt  }
0x53: {  	_ =	shalt  }
0x54: {  	_ =	shalt  }
0x55: {  	_ =	shalt  }
0x56: {  	_ =	shalt  }
0x57: {  	_ =	shalt  }
0x58: {  	_ =	shalt  }
0x59: {  	_ =	shalt  }
0x5a: {  	_ =	shalt  }
0x5b: {  	_ =	shalt  }
0x5c: {  	_ =	shalt  }
0x5d: {  	_ =	shalt  }
0x5e: {  	_ =	shalt  }
0x5f: {  	_ =	shalt  }
0x60: {  	_ =	shalt  }
0x61: {  	_ =	shalt  }
0x62: {  	_ =	shalt  }
0x63: {  	_ =	shalt  }
0x64: {  	_ =	shalt  }
0x65: {  	_ =	shalt  }
0x66: {  	_ =	shalt  }
0x67: {  	_ =	shalt  }
0x68: {  	_ =	shalt  }
0x69: {  	_ =	shalt  }
0x6a: {  	_ =	shalt  }
0x6b: {  	_ =	shalt  }
0x6c: {  	_ =	shalt  }
0x6d: {  	_ =	shalt  }
0x6e: {  	_ =	shalt  }
0x6f: {  	_ =	shalt  }
0x70: {  	_ =	shalt  }
0x71: {  	_ =	shalt  }
0x72: {  	_ =	shalt  }
0x73: {  	_ =	shalt  }
0x74: {  	_ =	shalt  }
0x75: {  	_ =	shalt  }
0x76: {  	_ =	shalt  }
0x77: {  	_ =	shalt  }
0x78: {  	_ =	shalt  }
0x79: {  	_ =	shalt  }
0x7a: {  	_ =	shalt  }
0x7b: {  	_ =	shalt  }
0x7c: {  	_ =	shalt  }
0x7d: {  	_ =	shalt  }
0x7e: {  	_ =	shalt  }
0x7f: {  	_ =	shalt  }
0x80: {  	_ =	shalt  }
0x81: {  	_ =	shalt  }
0x82: {  	_ =	shalt  }
0x83: {  	_ =	shalt  }
0x84: {  	_ =	shalt  }
0x85: {  	_ =	shalt  }
0x86: {  	_ =	shalt  }
0x87: {  	_ =	shalt  }
.Lfunc_end0:
.L_simem_size_0:
called_computation_lowered:
.L_overlay_start_0:
0x88: {  	s2 =	sld [smem:$0x3FD9]  }
0x89: {  	s3 =	sld [smem:$0x3FFE];
	_ =	sdelay $0x1  }
0x8a: {  	s1 =	srdreg.scid  }
0x8b: {  	s0 =	sand.u32 $0x1, s1  }
0x8c: {  	s17 =	sshll.u32 s0, $0xA;
	s2 =	sadd.s32 s3, s2  }
0x8d: {  	s2 =	sadd.s32 s2, s17  }
0x8e: {  	[smem:$0x3FC4] =	sst s2  }
0x8f: {  	_ = 	snop  }
0x90: {  	s2 =	sld [smem:$0x3FD0];
	(tm) =	ssettm $0x1  }
0x91: {  	s18 =	sld [smem:$0x3FFB];
	_ =	sdelay $0x3  }
0x92: {  	_ =	strace s18  }
0x93: {  	s3 =	sld [smem:$0x3FFC];
	_ =	sdelay $0x3  }
0x94: {  	_ =	strace s3  }
0x95: {  	s3 =	sld [smem:$0x3FFD];
	_ =	sdelay $0x3  }
0x96: {  	_ =	strace s3  }
0x97: {  	_ =	strace $0x8FFFFFFF  }
0x98: {  	s19 =	sld [smem:$0x3FDB];
	_ =	sdelay $0x1  }
0x99: {  	s4 =	simm.s32 $_scs_section_size  }
0x9a: {  	s5 =	simm.s32 $_size__tile_overlayer_lowered;
	s6 =	simm.s32 $_tile_overlayer_lowered  }
0x9b: {  	s22 =	simm.s32 $0x1BFF;
	s21 =	sshll.u32 s6, $0x1;
	s3 =	sadd.s32 s4, s19  }
0x9c: {  	s7 =	simm.s32 $0x0;
	s20 =	sshll.u32 s5, $0x1;
	s5 =	sadd.s32 s21, s3  }
0x9d: {  	[timem:s7], [sflag:s22] =	dma.local [hbm:s5], s20  }
0x9e: {  	_ =	swait.ge [sflag:s22], s20  }
0x9f: {  	s4 =	ssub.s32 $0x0, s20;
	[sflag:s22] =	ssyncset.done $0x0  }
0xa0: {  	[sflag:s22] =	ssyncadd.s32 s4;
	_ =	sdelay $0x1  }
0xa1: {  	s23 =	simm.s32 $0x1B8B  }
0xa2: {  	_ =	swait.ge [sflag:s23], $0x1  }
0xa3: {  	[sflag:s23] =	ssyncset.done $0x0  }
0xa4: {  	s25 =	simm.s32 $0x1B8E;
	s24 =	sld [smem:$0x3FFE];
	[sflag:s23] =	ssyncadd.s32 $0xFFFFFFFF  }
0xa5: {  	s26 =	simm.s32 $execute0_lowered;
	[smem:$0x3FD2] =	sst s25  }
0xa6: {  	s5 =	sshll.u32 s26, $0x1;
	_ =	strace $0x80000046;
	[dreg:$0x1] =	wrdreg $0xFFFFFFFF  }
0xa7: {  	s28 =	simm.s32 $_size_execute0_lowered;
	s3 =	sadd.s32 s3, s5;
	[dreg:$0x0] =	wrdreg $0x0  }
0xa8: {  	s5 =	sshll.u32 s28, $0x1;
	[dreg:$0x2] =	wrdreg s3  }
0xa9: {  	[dreg:$0x3] =	wrdreg s5  }
0xaa: {  	[dreg:$0x4] =	wrdreg $0xC0  }
0xab: {  	_ =	task [dreg:s7], $0x5FFFF  }
0xac: {  	[dreg:$0x1] =	wrdreg $0xFFFFFFFF  }
0xad: {  	[dreg:$0x0] =	wrdreg $0x60  }
0xae: {  	[dreg:$0x2] =	wrdreg s2  }
0xaf: {  	[dreg:$0x3] =	wrdreg s24  }
0xb0: {  	[dreg:$0x4] =	wrdreg $0x90000  }
0xb1: {  	[dreg:$0x5] =	wrdreg $0x9  }
0xb2: {  	_ =	task.clear_ibuf [dreg:s7], $0x6FFFF;
	_ =	strace $0x90000046  }
0xb3: {  	s29 =	simm.s32 $0x9;
	_ =	strace $0x80000048  }
0xb4: {  	_ =	swait.ge [sflag:s29], $0x1  }
0xb5: {  	[sflag:s29] =	ssyncadd.s32 $0xFFFFFFFF  }
0xb6: {  	_ =	strace $0x90000048  }
0xb7: {  	_ =	sfence  }
0xb8: {  	s30 =	sld [smem:$0x0];
	_ =	sdelay $0x2  }
0xb9: {  	s31 =	sshll.u32 s1, $0xD;
	s1 =	sshrl.u32 s1, $0x2  }
0xba: {  	s3 =	sand.u32 $0x4000, s31;
	s1 =	sadd.s32 s1, s30  }
0xbb: {  	s0 =	sor.u32 s3, s0;
	s1 =	sshll.u32 s1, $0x11  }
0xbc: {  	s0 =	sor.u32 s1, s0  }
0xbd: {  	s0 =	sadd.s32 $0x8F2B, s0  }
0xbe: {  	[sflag:s0] =	ssyncadd.remote.s32 $0x1  }
0xbf: {  	_ =	sfence.sel $0xFFFF  }
0xc0: {  	[dreg:$0x0] =	wrdreg $0xFFFFFFFF;
	(pc) =	sbr.abs _section_cstart, $3  }
0xc1: {  	[dreg:$0x1] =	wrdreg $0xFFFFFFFF  }
0xc2: {  	_ =	task.clear_ibuf [dreg:s7], $0x2FFFF;
	_ =	strace $0x9FFFFFFF  }
0xc3: {  	(tm) =	ssettm $0x7FFFFFFF  }
tec
execute0_lowered:
.L_overlay_start_1:
0x0: {  	(tag) =	ssettag $0x1  }
0x1: {  	s1 =	rddreg [dreg:$0x0]  }
0x2: {  	s6 =	rddreg [dreg:$0x1]  }
0x3: {  	s3 =	rddreg [dreg:$0x2];
	s2 =	srdreg.scid  }
0x4: {  	s0 =	rddreg [dreg:$0x3];
	s4 =	simm.s32 $0x0;
	s13 =	simm.s32 $0x2  }
0x5: {  	s14 =	simm.s32 $0x3;
	s15 =	simm.s32 $0x4;
	s16 =	simm.s32 $0x80  }
0x6: {  	s17 =	simm.s32 $0x5000;
	s18 =	simm.s32 $0x1;
	s7 =	sand.u32 $0x1, s2  }
0x7: {  	s19 =	simm.s32 $0x5;
	s2 =	stileid.u32;
	s8 =	smul.u32 $0x140000, s7  }
0x8: {  	s21 =	simm.s32 $0x0;
	[smem:$0x7FF] =	sst s4;
	s9 =	smul.u32 $0x14000, s2  }
0x9: {  	s5 =	sshll.u32 s7, $0x4;
	_ =	strace $0x80000047;
	s10 =	smul.u32 $0x50000, s2  }
0xa: {  	s29 =	ssub.s32 $0x2, s7;
	s20 =	sshll.u32 s2, $0x6;
	s5 =	sor.u32 s2, s5  }
0xb: {  	s7 =	sshrl.u32 s29, $0x1;
	s5 =	smul.u32 $0x500, s5;
	s8 =	sadd.s32 s9, s8  }
0xc: {  	s30 =	sshrl.u32 s10, $0x2;
	s31 =	ssub.s32 s29, s7;
	s8 =	sshrl.u32 s8, $0x3  }
0xd: {  	s12 =	sadd.s32 s30, s3;
	s10 =	smax.u32 s31, $0x1;
	s28 =	sadd.s32 s5, s6  }
0xe: {  	s5 =	sadd.s32 $0x14E00, s6;
	s11 =	sadd.s32 s8, s6;
	s6 =	sor.u32 $0x1C02, s20  }
0xf: {  	s20 =	sor.u32 $0x1C05, s20;
	s7 =	sadd.s32 $0xAE00, s28;
	s8 =	sadd.s32 $0xE00, s28  }
0x10: {  	s9 =	sadd.s32 $0x17600, s11;
	s11 =	sshrl.u32 s12, $0x3;
	s12 =	simm.s32 $0x2800  }
.LBB2_1:
0x11: {  	[spmem:s11], [sflag:s6] =	dma.local [hbm:s5], $0x2800  }
0x12: {  	[tilespmem:s4], [sflag:$0x3] =	stream.linear.gather [hbm4b:s7+s4], $0x2780, $0x38;
	[tilespmem:$0x1D000] =	vst v63  }
0x13: {  	_ = 	snop  }
0x14: {  	[tilespmem:s12], [sflag:$0x4] =	stream.linear.gather [hbm4b:s8+s4], $0x2780, $0x38;
	[tilespmem:$0x1D000] =	vst v63  }
0x15: {  	_ =	swait.ge [sflag:s13], $0x2800  }
0x16: {  	[sflag:s13] =	ssyncset.done $0x0  }
0x17: {  	[sflag:s13] =	ssyncadd.s32 $0xFFFFD800  }
0x18: {  	_ =	swait.ge [sflag:s14], $0x2780  }
0x19: {  	[sflag:s14] =	ssyncset.done $0x0  }
0x1a: {  	[sflag:s14] =	ssyncadd.s32 $0xFFFFD880  }
0x1b: {  	_ =	swait.ge [sflag:s15], $0x2780  }
0x1c: {  	[sflag:s15] =	ssyncset.done $0x0  }
0x1d: {  	[sflag:s15] =	ssyncadd.s32 $0xFFFFD880  }
0x1e: {  	s22 =	simm.s32 $0x0;
	[bflag:$0x0] =	sbarrier.arrive $0xFFFF  }
0x1f: {  	[tilespmem:s17], [sflag:$0x1] =	stream.indirect.gather [hbm4b:s1+s16], $0x80, s22, s16, $0xb8;
	[tilespmem:$0x1D000] =	vst v63  }
0x20: {  	_ =	swait.ge [sflag:s18], $0x4000  }
0x21: {  	[sflag:s18] =	ssyncset.done $0x0  }
0x22: {  	s31 =	simm.s32 $0x2800;
	[sflag:s18] =	ssyncadd.s32 $0xFFFFC000  }
0x23: {  	[spmem:s3] =	stream.indirect.scatter.add.f32 [tilespmem:s17], [sflag:$0x5], $0x80, s31, s16, $0xb8;
	[tilespmem:$0x1D000] =	vst v63  }
0x24: {  	_ =	swait.ge [sflag:s19], $0x4000  }
0x25: {  	s23 =	simm.s32 $0x400;
	s22 =	simm.s32 $0x200;
	[sflag:s19] =	ssyncset.done $0x0  }
.LBB2_2:
0x26: {  	s24 =	sshra.s32 s22, $0x2  }
0x27: {  	[sflag:s19] =	ssyncadd.s32 $0xFFFFC000;
	s22 =	smov.u32 s23;
	s25 =	sadd.s32 $0x200, s23  }
0x28: {  	[tilespmem:s17], [sflag:$0x1] =	stream.indirect.gather [hbm4b:s1+s16], $0x80, s24, s16, $0xb8;
	[tilespmem:$0x1D000] =	vst v63  }
0x29: {  	p0 =	sne.s32 s23, $0x9C00;
	_ =	swait.ge [sflag:s18], $0x4000  }
.Ltmp0:
0x2a: {  	[sflag:s18] =	ssyncset.done $0x0;
	(pc) =	sbr.rel @p0 .LBB2_2-.Ltmp0, $4  }
0x2b: {  	s23 =	sadd.s32 $0x2800, s24;
	[sflag:s18] =	ssyncadd.s32 $0xFFFFC000  }
0x2c: {  	[spmem:s3] =	stream.indirect.scatter.add.f32 [tilespmem:s17], [sflag:$0x5], $0x80, s23, s16, $0xb8;
	[tilespmem:$0x1D000] =	vst v63  }
0x2d: {  	_ =	swait.ge [sflag:s19], $0x4000  }
0x2e: {  	s23 =	smov.u32 s25;
	[sflag:s19] =	ssyncset.done $0x0  }
0x2f: {  	s22 =	sshra.s32 s22, $0x2;
	[sflag:s19] =	ssyncadd.s32 $0xFFFFC000  }
0x30: {  	[tilespmem:s17], [sflag:$0x1] =	stream.indirect.gather [hbm4b:s1+s16], $0x80, s22, s16, $0xb8;
	[tilespmem:$0x1D000] =	vst v63  }
0x31: {  	_ =	swait.ge [sflag:s18], $0x4000  }
0x32: {  	[sflag:s18] =	ssyncset.done $0x0  }
0x33: {  	s22 =	sadd.s32 $0x2800, s22;
	[sflag:s18] =	ssyncadd.s32 $0xFFFFC000  }
0x34: {  	[spmem:s3] =	stream.indirect.scatter.add.f32 [tilespmem:s17], [sflag:$0x5], $0x80, s22, s16, $0xb8;
	[tilespmem:$0x1D000] =	vst v63  }
0x35: {  	_ =	swait.ge [sflag:s19], $0x4000  }
0x36: {  	s21 =	sadd.s32 $0x1, s21;
	[sflag:s19] =	ssyncset.done $0x0  }
0x37: {  	p0 =	sne.s32 s21, s10;
	[sflag:s19] =	ssyncadd.s32 $0xFFFFC000  }
.Ltmp1:
0x38: {  	[bflag:$0x0] =	sbarrier.arrive $0xFFFF;
	(pc) =	sbr.rel @p0 .LBB2_1-.Ltmp1, $4  }
0x39: {  	[hbm:s9], [sflag:s20] =	dma.local [spmem:s11], $0x2800  }
0x3a: {  	_ =	swait.ge [sflag:s19], $0x2800  }
0x3b: {  	[sflag:s19] =	ssyncset.done $0x0  }
0x3c: {  	[sflag:s19] =	ssyncadd.s32 $0xFFFFD800  }
0x3d: {  	_ =	sfence.sel $0x180000  }
0x3e: {  	[bflag:$0x0] =	sbarrier.arrive $0xFFFF  }
0x3f: {  	p0 =	sne.s32 s2, $0x0;
	_ =	strace $0x90000047  }
0x40: {  	s0 =	sadd.s32 @!p0 $0x100000, s0;
	[bflag:$0x2] =	sbarrier.arrive $0xFFFF  }
0x41: {  	[sflag:s0] =	ssyncadd.tile.s32 @!p0 $0x1;
	_ =	shalt  }
.Lfunc_end2:
_tile_overlayer_lowered:
.L_overlay_start_2:
0x42: {  	(tag) =	ssettag $0x2  }
0x43: {  	s0 =	rddreg [dreg:$0x0];
	s2 =	stileid.u32  }
0x44: {  	s1 =	rddreg [dreg:$0x1];
	p0 =	sne.s32 s2, $0x0  }
0x45: {  	s3 =	rddreg [dreg:$0x2];
	[bflag:$0x3] =	sbarrier.arrive $0xFFFF;
	s2 =	simm.s32 @!p0 $0x1C05  }
0x46: {  	[timem:s3], [sflag:s2] =	dma.local @!p0 [hbm:s0], s1  }
0x47: {  	s0 =	simm.s32 @!p0 $0x5  }
0x48: {  	_ =	swait.ge @!p0 [sflag:s0], s1  }
0x49: {  	s1 =	ssub.s32 @!p0 $0x0, s1;
	[sflag:s0] =	ssyncset.done @!p0 $0x0  }
0x4a: {  	[sflag:s0] =	ssyncadd.s32 @!p0 s1  }
0x4b: {  	[bflag:$0x3] =	sbarrier.arrive $0xFFFF  }
0x4c: {  	_ =	shalt  }

</sc_bundles>
